<compile_context>
chip_gen: v7x
topology: tpu7x:2x2x1
jax: 0.10.2.dev20260603
libtpu: 0.0.44.dev20260713+nightly
codegen_flags: <defaults>
</compile_context>

<pallas_src>
import functools

import jax
import jax.numpy as jnp
from jax import lax
from jax.experimental import pallas as pl
from jax.experimental.pallas import tpu as pltpu
from jax.experimental.pallas import tpu_sc as plsc

LANES = 16
BLK = 128
NBLK = 2048
TRI_BLK = 65536


def _flat_idx(n, j):
    return jnp.bitwise_or(
        jnp.bitwise_or(lax.shift_left(jnp.bitwise_and(n, -BLK), 3),
                       lax.shift_left(j, 7)),
        jnp.bitwise_and(n, BLK - 1))


def _tc_build(sent, n_dim, w_ref, bcol_ref, emb_ref, trip_ref,
              tab_ref, idxs_ref, idxo_ref):
    at = jnp.concatenate([w_ref[:, :n_dim], w_ref[:, n_dim:]], axis=0)
    yt = lax.dot_general(at, emb_ref[...], (((1,), (1,)), ((), ())),
                         preferred_element_type=jnp.float32)
    yt = yt + bcol_ref[...]
    u = lax.bitcast_convert_type(yt, jnp.int32)
    carry = jnp.bitwise_and(lax.shift_right_logical(u, 16), 1)
    r16 = lax.shift_right_logical(u + 0x7FFF + carry, 16)
    packed = jnp.bitwise_or(r16[0:8, :], lax.shift_left(r16[8:16, :], 16))
    for t in range(NBLK // BLK):
        tab_ref[8 * t:8 * t + 8, :] = packed[:, BLK * t:BLK * (t + 1)]

    s = trip_ref[0]
    r = trip_ref[1]
    o = trip_ref[2]
    rc = jnp.minimum(r, 7)
    valid = r < 8
    idxs_ref[...] = jnp.where(valid, _flat_idx(s, rc), sent)
    idxo_ref[...] = jnp.where(valid, _flat_idx(o, rc), sent)


def _sc_body(chunk, sent, tab_words, tab_hbm, idxs_hbm, idxo_hbm, out_hbm,
             tab_sp, tab_v, is_v, io_v, res_v, sem, sem2):
    sid = lax.axis_index("s")
    wid = sid * 2 + lax.axis_index("c")
    base = wid * chunk
    @pl.when(sid == 0)
    def _():
        pltpu.sync_copy(tab_hbm, tab_sp)

    ci = pltpu.async_copy(idxs_hbm.at[pl.ds(base, chunk)], is_v, sem2)
    co = pltpu.async_copy(idxo_hbm.at[pl.ds(base, chunk)], io_v, sem2)
    plsc.subcore_barrier()
    pltpu.sync_copy(tab_sp, tab_v)
    ci.wait()
    co.wait()
    tab_v[pl.ds(sent, LANES)] = jnp.zeros((LANES,), jnp.int32)

    @plsc.parallel_loop(0, chunk, step=LANES, unroll=16)
    def body(i):
        sl = pl.ds(i, LANES)
        gs = plsc.load_gather(tab_v, [is_v[sl]])
        go = plsc.load_gather(tab_v, [io_v[sl]])
        vs = plsc.bitcast(lax.shift_left(gs, 16), jnp.float32)
        vo = plsc.bitcast(jnp.bitwise_and(go, jnp.int32(-65536)), jnp.float32)
        res_v[sl] = vs + vo

    pltpu.sync_copy(res_v, out_hbm.at[pl.ds(base, chunk)])


def kernel(embeddings, triples, W, b):
    n_nodes, n_dim = embeddings.shape
    n_rel = W.shape[0]
    n_triples = triples.shape[1]

    bcol = jnp.concatenate([b, jnp.zeros((n_rel,), jnp.float32)])
    bcol = bcol.reshape(2 * n_rel, 1)

    sent = ((n_nodes & -BLK) << 3) | (n_nodes & (BLK - 1))
    grid = pl.cdiv(n_nodes + 1, NBLK)
    sub = NBLK // BLK
    assert grid * TRI_BLK >= n_triples
    tab, idxs, idxo = pl.pallas_call(
        functools.partial(_tc_build, sent, n_dim),
        grid=(grid,),
        in_specs=[
            pl.BlockSpec((n_rel, 2 * n_dim), lambda g: (0, 0)),
            pl.BlockSpec((2 * n_rel, 1), lambda g: (0, 0)),
            pl.BlockSpec((NBLK, n_dim), lambda g: (g, 0)),
            pl.BlockSpec((3, TRI_BLK), lambda g: (0, g)),
        ],
        out_specs=[
            pl.BlockSpec((sub * n_rel, BLK), lambda g: (g, 0)),
            pl.BlockSpec((TRI_BLK,), lambda g: (g,)),
            pl.BlockSpec((TRI_BLK,), lambda g: (g,)),
        ],
        out_shape=[
            jax.ShapeDtypeStruct((grid * sub * n_rel, BLK), jnp.int32),
            jax.ShapeDtypeStruct((n_triples,), jnp.int32),
            jax.ShapeDtypeStruct((n_triples,), jnp.int32),
        ],
    )(W, bcol, embeddings, triples)

    nw = 32
    chunk = n_triples // nw
    tab_words = grid * sub * n_rel * BLK

    sc = functools.partial(
        pl.kernel,
        mesh=plsc.VectorSubcoreMesh(core_axis_name="c", subcore_axis_name="s"),
        compiler_params=pltpu.CompilerParams(needs_layout_passes=False),
        out_type=jax.ShapeDtypeStruct((n_triples,), jnp.float32),
        scratch_types=[
            pltpu.VMEM_SHARED((tab_words,), jnp.int32),
            pltpu.VMEM((tab_words,), jnp.int32),
            pltpu.VMEM((chunk,), jnp.int32),
            pltpu.VMEM((chunk,), jnp.int32),
            pltpu.VMEM((chunk,), jnp.float32),
            pltpu.SemaphoreType.DMA,
            pltpu.SemaphoreType.DMA,
        ],
    )(functools.partial(_sc_body, chunk, sent, tab_words))

    return sc(tab.reshape(-1), idxs, idxo)

# --- scband reference (transcript-rebuilt; emitter-appended) ---
"""Pipeline reference for scband-classifier-head-40269613367577 (READ-ONLY COPY).

The authoritative reference and input builder live on the scoring server;
editing this copy changes nothing except your own understanding.
"""

import jax, jax.numpy as jnp
import numpy as np

N_NODES = 10000
N_DIM = 128
N_REL = 8
N_TRIPLES = 320000


def setup_inputs(seed: int = 0) -> dict:
    key = jax.random.key(seed)
    k1, k2, k3, k4 = jax.random.split(key, 4)
    embeddings = jax.random.normal(k1, (N_NODES, N_DIM), dtype=jnp.float32)
    triples = jax.random.randint(k2, (3, N_TRIPLES), 0, N_NODES, dtype=jnp.int32)
    # per-relation Linear(2*n_dim, 1) params, torch default init: U(-1/sqrt(fan_in), 1/sqrt(fan_in))
    fan_in = 2 * N_DIM
    bound = 1.0 / np.sqrt(fan_in)
    W = jax.random.uniform(k3, (N_REL, fan_in), dtype=jnp.float32, minval=-bound, maxval=bound)
    b = jax.random.uniform(k4, (N_REL,), dtype=jnp.float32, minval=-bound, maxval=bound)
    return {"embeddings": embeddings, "triples": triples, "W": W, "b": b}


def reference(embeddings, triples, W, b):
    # gather subject / object embeddings (SparseCore gather)
    s = jnp.take(embeddings, triples[0, :], axis=0)
    r = triples[1, :]
    o = jnp.take(embeddings, triples[2, :], axis=0)
    x = jnp.concatenate([s, o], axis=-1)  # [E, 2*n_dim]
    prediction = jnp.zeros((triples.shape[1],), dtype=jnp.float32)
    for i in range(N_REL):
        # BinaryClassifier i: Linear(2*n_dim, 1) then take column 0
        p = x @ W[i] + b[i]  # [E]
        mask = r == i
        # equivalent to prediction[r_idx] = p[r_idx] (relations >= N_REL stay zero)
        prediction = jnp.where(mask, p, prediction)
    return prediction

if __name__ == "__main__":
    import jax
    _d = setup_inputs()
    print(jax.jit(kernel)(*tuple(_d.values())))

</pallas_src>

<mosaic_0001>
#map = affine_map<(d0, d1) -> (0)>
module attributes {stable_mosaic.version = 14 : i64} {
  func.func @_sc_body(%arg0: i32, %arg1: i32, %arg2: memref<81920xi32, #tpu.memory_space<hbm>>, %arg3: memref<320000xi32, #tpu.memory_space<hbm>>, %arg4: memref<320000xi32, #tpu.memory_space<hbm>>, %arg5: memref<320000xf32, #tpu.memory_space<hbm>>, %arg6: memref<81920xi32, #tpu.memory_space<vmem_shared>>, %arg7: memref<81920xi32, #tpu.memory_space<vmem>>, %arg8: memref<10000xi32, #tpu.memory_space<vmem>>, %arg9: memref<10000xi32, #tpu.memory_space<vmem>>, %arg10: memref<10000xf32, #tpu.memory_space<vmem>>, %arg11: memref<!tpu.dma_semaphore, #tpu.memory_space<semaphore_mem>>, %arg12: memref<!tpu.dma_semaphore, #tpu.memory_space<semaphore_mem>>) attributes {dimension_semantics = [#tpu.dimension_semantics<core_parallel>, #tpu.dimension_semantics<subcore_parallel>], iteration_bounds = array<i64: 2, 16>, scalar_prefetch = 0 : i64, scratch_operands = 7 : i64, tpu.core_type = #tpu.core_type<sc_vector_subcore>, window_params = [{transform_indices = #map}, {transform_indices = #map}, {transform_indices = #map}, {transform_indices = #map}]} {
    %mul3A = arith.constant 2 : i32
    %mul3A_0 = arith.muli %arg1, %mul3A : i32
    %add3A = arith.addi %mul3A_0, %arg0 : i32
    %mul3A_1 = arith.constant 10000 : i32
    %mul3A_2 = arith.muli %add3A, %mul3A_1 : i32
    %eq3A = arith.constant 0 : i32
    %eq3A_3 = arith.cmpi eq, %arg1, %eq3A : i32
    %convert_element_type3A = arith.extui %eq3A_3 : i1 to i32
    %cond3A = arith.constant 0 : i32
    %cond3A_4 = arith.cmpi ne, %convert_element_type3A, %cond3A : i32
    scf.if %cond3A_4 {
      "tpu.region"() ({
        %run_scoped3A = tpu.sem_alloc : memref<!tpu.dma_semaphore, #tpu.memory_space<semaphore_mem>>
        tpu.enqueue_dma source(%arg2 : memref<81920xi32, #tpu.memory_space<hbm>>) target(%arg6 : memref<81920xi32, #tpu.memory_space<vmem_shared>>) target_semaphore(%run_scoped3A : memref<!tpu.dma_semaphore, #tpu.memory_space<semaphore_mem>>)
        tpu.wait_dma2 semaphore(%run_scoped3A : memref<!tpu.dma_semaphore, #tpu.memory_space<semaphore_mem>>) src(%arg2 : memref<81920xi32, #tpu.memory_space<hbm>>) dst(%arg6 : memref<81920xi32, #tpu.memory_space<vmem_shared>>)
        tpu.yield
      }) : () -> ()
    } else {
    }
    %dma_start3A = tpu.memref_slice %arg3[%mul3A_2] : memref<320000xi32, #tpu.memory_space<hbm>> -> memref<10000xi32, #tpu.memory_space<hbm>>
    %dma_start3A_5 = tpu.memref_slice %arg3[%mul3A_2] : memref<320000xi32, #tpu.memory_space<hbm>> -> memref<10000xi32, #tpu.memory_space<hbm>>
    tpu.enqueue_dma source(%dma_start3A_5 : memref<10000xi32, #tpu.memory_space<hbm>>) target(%arg8 : memref<10000xi32, #tpu.memory_space<vmem>>) target_semaphore(%arg12 : memref<!tpu.dma_semaphore, #tpu.memory_space<semaphore_mem>>)
    %dma_start3A_6 = tpu.memref_slice %arg4[%mul3A_2] : memref<320000xi32, #tpu.memory_space<hbm>> -> memref<10000xi32, #tpu.memory_space<hbm>>
    %dma_start3A_7 = tpu.memref_slice %arg4[%mul3A_2] : memref<320000xi32, #tpu.memory_space<hbm>> -> memref<10000xi32, #tpu.memory_space<hbm>>
    tpu.enqueue_dma source(%dma_start3A_7 : memref<10000xi32, #tpu.memory_space<hbm>>) target(%arg9 : memref<10000xi32, #tpu.memory_space<vmem>>) target_semaphore(%arg12 : memref<!tpu.dma_semaphore, #tpu.memory_space<semaphore_mem>>)
    %barrier3A = arith.constant 0 : index
    tpu.barrier barrier_id(%barrier3A)
    "tpu.region"() ({
      %run_scoped3A = tpu.sem_alloc : memref<!tpu.dma_semaphore, #tpu.memory_space<semaphore_mem>>
      tpu.enqueue_dma source(%arg6 : memref<81920xi32, #tpu.memory_space<vmem_shared>>) target(%arg7 : memref<81920xi32, #tpu.memory_space<vmem>>) target_semaphore(%run_scoped3A : memref<!tpu.dma_semaphore, #tpu.memory_space<semaphore_mem>>)
      tpu.wait_dma2 semaphore(%run_scoped3A : memref<!tpu.dma_semaphore, #tpu.memory_space<semaphore_mem>>) src(%arg6 : memref<81920xi32, #tpu.memory_space<vmem_shared>>) dst(%arg7 : memref<81920xi32, #tpu.memory_space<vmem>>)
      tpu.yield
    }) : () -> ()
    %dma_wait3A = tpu.memref_slice %arg3[%mul3A_2] : memref<320000xi32, #tpu.memory_space<hbm>> -> memref<10000xi32, #tpu.memory_space<hbm>>
    %dma_wait3A_8 = tpu.memref_slice %arg3[%mul3A_2] : memref<320000xi32, #tpu.memory_space<hbm>> -> memref<10000xi32, #tpu.memory_space<hbm>>
    tpu.wait_dma2 semaphore(%arg12 : memref<!tpu.dma_semaphore, #tpu.memory_space<semaphore_mem>>) src(%dma_wait3A_8 : memref<10000xi32, #tpu.memory_space<hbm>>) dst(%arg8 : memref<10000xi32, #tpu.memory_space<vmem>>)
    %dma_wait3A_9 = tpu.memref_slice %arg4[%mul3A_2] : memref<320000xi32, #tpu.memory_space<hbm>> -> memref<10000xi32, #tpu.memory_space<hbm>>
    %dma_wait3A_10 = tpu.memref_slice %arg4[%mul3A_2] : memref<320000xi32, #tpu.memory_space<hbm>> -> memref<10000xi32, #tpu.memory_space<hbm>>
    tpu.wait_dma2 semaphore(%arg12 : memref<!tpu.dma_semaphore, #tpu.memory_space<semaphore_mem>>) src(%dma_wait3A_10 : memref<10000xi32, #tpu.memory_space<hbm>>) dst(%arg9 : memref<10000xi32, #tpu.memory_space<vmem>>)
    %broadcast_in_dim3A = arith.constant 0 : i32
    %broadcast_in_dim3A_11 = vector.broadcast %broadcast_in_dim3A : i32 to vector<16xi32>
    %swap3A = arith.constant 79888 : index
    %swap3A_12 = tpu.vector_load %arg7[%swap3A] {strides = array<i32>} : memref<81920xi32, #tpu.memory_space<vmem>>, vector<16xi32>,
    tpu.vector_store %arg7[%swap3A], %broadcast_in_dim3A_11 {strides = array<i32>} : memref<81920xi32, #tpu.memory_space<vmem>>, vector<16xi32>,
    %parallel_loop3A = arith.constant 0 : i32
    %parallel_loop3A_13 = arith.constant 10000 : i32
    %parallel_loop3A_14 = arith.constant 16 : i32
    scf.for %parallel_loop3A_15 = %parallel_loop3A to %parallel_loop3A_13 step %parallel_loop3A_14  : i32 {
      %parallel_loop3A_16 = arith.index_cast %parallel_loop3A_15 : i32 to index
      %parallel_loop3A_17 = tpu.vector_load %arg8[%parallel_loop3A_16] {strides = array<i32>} : memref<10000xi32, #tpu.memory_space<vmem>>, vector<16xi32>,
      %parallel_loop3A_18 = tpu.vector_load_idx %arg7[%parallel_loop3A_17] : memref<81920xi32, #tpu.memory_space<vmem>>[vector<16xi32>], vector<16xi32>,
      %parallel_loop3A_19 = arith.index_cast %parallel_loop3A_15 : i32 to index
      %parallel_loop3A_20 = tpu.vector_load %arg9[%parallel_loop3A_19] {strides = array<i32>} : memref<10000xi32, #tpu.memory_space<vmem>>, vector<16xi32>,
      %parallel_loop3A_21 = tpu.vector_load_idx %arg7[%parallel_loop3A_20] : memref<81920xi32, #tpu.memory_space<vmem>>[vector<16xi32>], vector<16xi32>,
      %parallel_loop3A_22 = arith.constant 16 : i32
      %parallel_loop3A_23 = vector.broadcast %parallel_loop3A_22 : i32 to vector<16xi32>
      %parallel_loop3A_24 = arith.shli %parallel_loop3A_18, %parallel_loop3A_23 : vector<16xi32>
      %parallel_loop3A_25 = vector.bitcast %parallel_loop3A_24 : vector<16xi32> to vector<16xf32>
      %parallel_loop3A_26 = arith.constant -65536 : i32
      %parallel_loop3A_27 = vector.broadcast %parallel_loop3A_26 : i32 to vector<16xi32>
      %parallel_loop3A_28 = arith.andi %parallel_loop3A_21, %parallel_loop3A_27 : vector<16xi32>
      %parallel_loop3A_29 = vector.bitcast %parallel_loop3A_28 : vector<16xi32> to vector<16xf32>
      %parallel_loop3A_30 = arith.addf %parallel_loop3A_25, %parallel_loop3A_29 : vector<16xf32>
      %parallel_loop3A_31 = arith.index_cast %parallel_loop3A_15 : i32 to index
      %parallel_loop3A_32 = tpu.vector_load %arg10[%parallel_loop3A_31] {strides = array<i32>} : memref<10000xf32, #tpu.memory_space<vmem>>, vector<16xf32>,
      tpu.vector_store %arg10[%parallel_loop3A_31], %parallel_loop3A_30 {strides = array<i32>} : memref<10000xf32, #tpu.memory_space<vmem>>, vector<16xf32>,
    } {sc.loop_unroll_factor = 16 : i64, sc.parallel_access}
    "tpu.region"() ({
      %run_scoped3A = tpu.sem_alloc : memref<!tpu.dma_semaphore, #tpu.memory_space<semaphore_mem>>
      %dma_start3A_15 = tpu.memref_slice %arg5[%mul3A_2] : memref<320000xf32, #tpu.memory_space<hbm>> -> memref<10000xf32, #tpu.memory_space<hbm>>
      %dma_start3A_16 = tpu.memref_slice %arg5[%mul3A_2] : memref<320000xf32, #tpu.memory_space<hbm>> -> memref<10000xf32, #tpu.memory_space<hbm>>
      tpu.enqueue_dma source(%arg10 : memref<10000xf32, #tpu.memory_space<vmem>>) target(%dma_start3A_16 : memref<10000xf32, #tpu.memory_space<hbm>>) target_semaphore(%run_scoped3A : memref<!tpu.dma_semaphore, #tpu.memory_space<semaphore_mem>>)
      %dma_wait3A_17 = tpu.memref_slice %arg5[%mul3A_2] : memref<320000xf32, #tpu.memory_space<hbm>> -> memref<10000xf32, #tpu.memory_space<hbm>>
      %dma_wait3A_18 = tpu.memref_slice %arg5[%mul3A_2] : memref<320000xf32, #tpu.memory_space<hbm>> -> memref<10000xf32, #tpu.memory_space<hbm>>
      tpu.wait_dma2 semaphore(%run_scoped3A : memref<!tpu.dma_semaphore, #tpu.memory_space<semaphore_mem>>) src(%arg10 : memref<10000xf32, #tpu.memory_space<vmem>>) dst(%dma_wait3A_18 : memref<10000xf32, #tpu.memory_space<hbm>>)
      tpu.yield
    }) : () -> ()
    return
  }
}

module attributes {stable_mosaic.version = 14 : i64} {
  func.func @_tc_build(%arg0: i32, %arg1: memref<8x256xf32, #tpu.memory_space<vmem>>, %arg2: memref<16x1xf32, #tpu.memory_space<vmem>>, %arg3: memref<2048x128xf32, #tpu.memory_space<vmem>>, %arg4: memref<3x65536xi32, #tpu.memory_space<vmem>>, %arg5: memref<128x128xi32, #tpu.memory_space<vmem>>, %arg6: memref<65536xi32, #tpu.memory_space<vmem>>, %arg7: memref<65536xi32, #tpu.memory_space<vmem>>) attributes {dimension_semantics = [#tpu.dimension_semantics<arbitrary>], iteration_bounds = array<i64: 5>, scalar_prefetch = 0 : i64, scratch_operands = 0 : i64, tpu.core_type = #tpu.core_type<tc>, window_params = [{pipeline_mode = #tpu.pipeline_mode<synchronous>, transform_indices = @transform_0, window_bounds = array<i64: 8, 256>}, {pipeline_mode = #tpu.pipeline_mode<synchronous>, transform_indices = @transform_1, window_bounds = array<i64: 16, 1>}, {transform_indices = @transform_2, window_bounds = array<i64: 2048, 128>}, {transform_indices = @transform_3, window_bounds = array<i64: 3, 65536>}, {transform_indices = @transform_4, window_bounds = array<i64: 128, 128>}, {transform_indices = @transform_5, window_bounds = array<i64: 65536>}, {transform_indices = @transform_6, window_bounds = array<i64: 65536>}]} {
    %get3A = arith.constant 0 : index
    %get3A_0 = arith.constant 0 : index
    %get3A_1 = vector.load %arg1[%get3A, %get3A_0] : memref<8x256xf32, #tpu.memory_space<vmem>>, vector<8x128xf32>
    %get3A_2 = arith.constant 0 : index
    %get3A_3 = arith.constant 128 : index
    %get3A_4 = vector.load %arg1[%get3A_2, %get3A_3] : memref<8x256xf32, #tpu.memory_space<vmem>>, vector<8x128xf32>
    %concatenate3A = tpu.concatenate %get3A_1, %get3A_4 in 0 : vector<8x128xf32>, vector<8x128xf32> -> vector<16x128xf32>
    %get3A_5 = arith.constant 0 : index
    %get3A_6 = arith.constant 0 : index
    %get3A_7 = vector.load %arg3[%get3A_5, %get3A_6] : memref<2048x128xf32, #tpu.memory_space<vmem>>, vector<2048x128xf32>
    %dot_general3A = arith.constant dense<0.000000e+00> : vector<16x2048xf32>
    %dot_general3A_8 = tpu.matmul %concatenate3A, %get3A_7, %dot_general3A {dimension_numbers = #tpu.dot_dimension_numbers<[1], [1], [0], [0], [0, 0, 1, 0], [], []>, transpose_lhs_hint = false} : vector<16x128xf32>, vector<2048x128xf32>, vector<16x2048xf32> -> vector<16x2048xf32>
    %get3A_9 = arith.constant 0 : index
    %get3A_10 = arith.constant 0 : index
    %get3A_11 = vector.load %arg2[%get3A_9, %get3A_10] : memref<16x1xf32, #tpu.memory_space<vmem>>, vector<16x1xf32>
    %add3A = vector.broadcast %get3A_11 : vector<16x1xf32> to vector<16x2048xf32>
    %add3A_12 = arith.addf %dot_general3A_8, %add3A : vector<16x2048xf32>
    %bitcast_convert_type3A = tpu.bitcast %add3A_12 : vector<16x2048xf32> -> vector<16x2048xi32>
    %shift_right_logical3A = arith.constant 16 : i32
    %shift_right_logical3A_13 = vector.broadcast %shift_right_logical3A : i32 to vector<16x2048xi32>
    %shift_right_logical3A_14 = arith.shrui %bitcast_convert_type3A, %shift_right_logical3A_13 : vector<16x2048xi32>
    %and3A = arith.constant 1 : i32
    %and3A_15 = vector.broadcast %and3A : i32 to vector<16x2048xi32>
    %and3A_16 = arith.andi %shift_right_logical3A_14, %and3A_15 : vector<16x2048xi32>
    %add3A_17 = arith.constant 32767 : i32
    %add3A_18 = vector.broadcast %add3A_17 : i32 to vector<16x2048xi32>
    %add3A_19 = arith.addi %bitcast_convert_type3A, %add3A_18 : vector<16x2048xi32>
    %add3A_20 = arith.addi %add3A_19, %and3A_16 : vector<16x2048xi32>
    %shift_right_logical3A_21 = arith.constant 16 : i32
    %shift_right_logical3A_22 = vector.broadcast %shift_right_logical3A_21 : i32 to vector<16x2048xi32>
    %shift_right_logical3A_23 = arith.shrui %add3A_20, %shift_right_logical3A_22 : vector<16x2048xi32>
    %slice3A = vector.extract_strided_slice %shift_right_logical3A_23 {offsets = [0, 0], sizes = [8, 2048], strides = [1, 1]} : vector<16x2048xi32> to vector<8x2048xi32>
    %slice3A_24 = vector.extract_strided_slice %shift_right_logical3A_23 {offsets = [8, 0], sizes = [8, 2048], strides = [1, 1]} : vector<16x2048xi32> to vector<8x2048xi32>
    %shift_left3A = arith.constant 16 : i32
    %shift_left3A_25 = vector.broadcast %shift_left3A : i32 to vector<8x2048xi32>
    %shift_left3A_26 = arith.shli %slice3A_24, %shift_left3A_25 : vector<8x2048xi32>
    %or3A = arith.ori %slice3A, %shift_left3A_26 : vector<8x2048xi32>
    %slice3A_27 = vector.extract_strided_slice %or3A {offsets = [0, 0], sizes = [8, 128], strides = [1, 1]} : vector<8x2048xi32> to vector<8x128xi32>
    %swap3A = arith.constant 0 : index
    %swap3A_28 = arith.constant 0 : index
    %swap3A_29 = vector.load %arg5[%swap3A, %swap3A_28] : memref<128x128xi32, #tpu.memory_space<vmem>>, vector<8x128xi32>
    tpu.vector_store %arg5[%swap3A, %swap3A_28], %slice3A_27 {strides = array<i32>} : memref<128x128xi32, #tpu.memory_space<vmem>>, vector<8x128xi32>,
    %slice3A_30 = vector.extract_strided_slice %or3A {offsets = [0, 128], sizes = [8, 128], strides = [1, 1]} : vector<8x2048xi32> to vector<8x128xi32>
    %swap3A_31 = arith.constant 8 : index
    %swap3A_32 = arith.constant 0 : index
    %swap3A_33 = vector.load %arg5[%swap3A_31, %swap3A_32] : memref<128x128xi32, #tpu.memory_space<vmem>>, vector<8x128xi32>
    tpu.vector_store %arg5[%swap3A_31, %swap3A_32], %slice3A_30 {strides = array<i32>} : memref<128x128xi32, #tpu.memory_space<vmem>>, vector<8x128xi32>,
    %slice3A_34 = vector.extract_strided_slice %or3A {offsets = [0, 256], sizes = [8, 128], strides = [1, 1]} : vector<8x2048xi32> to vector<8x128xi32>
    %swap3A_35 = arith.constant 16 : index
    %swap3A_36 = arith.constant 0 : index
    %swap3A_37 = vector.load %arg5[%swap3A_35, %swap3A_36] : memref<128x128xi32, #tpu.memory_space<vmem>>, vector<8x128xi32>
    tpu.vector_store %arg5[%swap3A_35, %swap3A_36], %slice3A_34 {strides = array<i32>} : memref<128x128xi32, #tpu.memory_space<vmem>>, vector<8x128xi32>,
    %slice3A_38 = vector.extract_strided_slice %or3A {offsets = [0, 384], sizes = [8, 128], strides = [1, 1]} : vector<8x2048xi32> to vector<8x128xi32>
    %swap3A_39 = arith.constant 24 : index
    %swap3A_40 = arith.constant 0 : index
    %swap3A_41 = vector.load %arg5[%swap3A_39, %swap3A_40] : memref<128x128xi32, #tpu.memory_space<vmem>>, vector<8x128xi32>
    tpu.vector_store %arg5[%swap3A_39, %swap3A_40], %slice3A_38 {strides = array<i32>} : memref<128x128xi32, #tpu.memory_space<vmem>>, vector<8x128xi32>,
    %slice3A_42 = vector.extract_strided_slice %or3A {offsets = [0, 512], sizes = [8, 128], strides = [1, 1]} : vector<8x2048xi32> to vector<8x128xi32>
    %swap3A_43 = arith.constant 32 : index
    %swap3A_44 = arith.constant 0 : index
    %swap3A_45 = vector.load %arg5[%swap3A_43, %swap3A_44] : memref<128x128xi32, #tpu.memory_space<vmem>>, vector<8x128xi32>
    tpu.vector_store %arg5[%swap3A_43, %swap3A_44], %slice3A_42 {strides = array<i32>} : memref<128x128xi32, #tpu.memory_space<vmem>>, vector<8x128xi32>,
    %slice3A_46 = vector.extract_strided_slice %or3A {offsets = [0, 640], sizes = [8, 128], strides = [1, 1]} : vector<8x2048xi32> to vector<8x128xi32>
    %swap3A_47 = arith.constant 40 : index
    %swap3A_48 = arith.constant 0 : index
    %swap3A_49 = vector.load %arg5[%swap3A_47, %swap3A_48] : memref<128x128xi32, #tpu.memory_space<vmem>>, vector<8x128xi32>
    tpu.vector_store %arg5[%swap3A_47, %swap3A_48], %slice3A_46 {strides = array<i32>} : memref<128x128xi32, #tpu.memory_space<vmem>>, vector<8x128xi32>,
    %slice3A_50 = vector.extract_strided_slice %or3A {offsets = [0, 768], sizes = [8, 128], strides = [1, 1]} : vector<8x2048xi32> to vector<8x128xi32>
    %swap3A_51 = arith.constant 48 : index
    %swap3A_52 = arith.constant 0 : index
    %swap3A_53 = vector.load %arg5[%swap3A_51, %swap3A_52] : memref<128x128xi32, #tpu.memory_space<vmem>>, vector<8x128xi32>
    tpu.vector_store %arg5[%swap3A_51, %swap3A_52], %slice3A_50 {strides = array<i32>} : memref<128x128xi32, #tpu.memory_space<vmem>>, vector<8x128xi32>,
    %slice3A_54 = vector.extract_strided_slice %or3A {offsets = [0, 896], sizes = [8, 128], strides = [1, 1]} : vector<8x2048xi32> to vector<8x128xi32>
    %swap3A_55 = arith.constant 56 : index
    %swap3A_56 = arith.constant 0 : index
    %swap3A_57 = vector.load %arg5[%swap3A_55, %swap3A_56] : memref<128x128xi32, #tpu.memory_space<vmem>>, vector<8x128xi32>
    tpu.vector_store %arg5[%swap3A_55, %swap3A_56], %slice3A_54 {strides = array<i32>} : memref<128x128xi32, #tpu.memory_space<vmem>>, vector<8x128xi32>,
    %slice3A_58 = vector.extract_strided_slice %or3A {offsets = [0, 1024], sizes = [8, 128], strides = [1, 1]} : vector<8x2048xi32> to vector<8x128xi32>
    %swap3A_59 = arith.constant 64 : index
    %swap3A_60 = arith.constant 0 : index
    %swap3A_61 = vector.load %arg5[%swap3A_59, %swap3A_60] : memref<128x128xi32, #tpu.memory_space<vmem>>, vector<8x128xi32>
    tpu.vector_store %arg5[%swap3A_59, %swap3A_60], %slice3A_58 {strides = array<i32>} : memref<128x128xi32, #tpu.memory_space<vmem>>, vector<8x128xi32>,
    %slice3A_62 = vector.extract_strided_slice %or3A {offsets = [0, 1152], sizes = [8, 128], strides = [1, 1]} : vector<8x2048xi32> to vector<8x128xi32>
    %swap3A_63 = arith.constant 72 : index
    %swap3A_64 = arith.constant 0 : index
    %swap3A_65 = vector.load %arg5[%swap3A_63, %swap3A_64] : memref<128x128xi32, #tpu.memory_space<vmem>>, vector<8x128xi32>
    tpu.vector_store %arg5[%swap3A_63, %swap3A_64], %slice3A_62 {strides = array<i32>} : memref<128x128xi32, #tpu.memory_space<vmem>>, vector<8x128xi32>,
    %slice3A_66 = vector.extract_strided_slice %or3A {offsets = [0, 1280], sizes = [8, 128], strides = [1, 1]} : vector<8x2048xi32> to vector<8x128xi32>
    %swap3A_67 = arith.constant 80 : index
    %swap3A_68 = arith.constant 0 : index
    %swap3A_69 = vector.load %arg5[%swap3A_67, %swap3A_68] : memref<128x128xi32, #tpu.memory_space<vmem>>, vector<8x128xi32>
    tpu.vector_store %arg5[%swap3A_67, %swap3A_68], %slice3A_66 {strides = array<i32>} : memref<128x128xi32, #tpu.memory_space<vmem>>, vector<8x128xi32>,
    %slice3A_70 = vector.extract_strided_slice %or3A {offsets = [0, 1408], sizes = [8, 128], strides = [1, 1]} : vector<8x2048xi32> to vector<8x128xi32>
    %swap3A_71 = arith.constant 88 : index
    %swap3A_72 = arith.constant 0 : index
    %swap3A_73 = vector.load %arg5[%swap3A_71, %swap3A_72] : memref<128x128xi32, #tpu.memory_space<vmem>>, vector<8x128xi32>
    tpu.vector_store %arg5[%swap3A_71, %swap3A_72], %slice3A_70 {strides = array<i32>} : memref<128x128xi32, #tpu.memory_space<vmem>>, vector<8x128xi32>,
    %slice3A_74 = vector.extract_strided_slice %or3A {offsets = [0, 1536], sizes = [8, 128], strides = [1, 1]} : vector<8x2048xi32> to vector<8x128xi32>
    %swap3A_75 = arith.constant 96 : index
    %swap3A_76 = arith.constant 0 : index
    %swap3A_77 = vector.load %arg5[%swap3A_75, %swap3A_76] : memref<128x128xi32, #tpu.memory_space<vmem>>, vector<8x128xi32>
    tpu.vector_store %arg5[%swap3A_75, %swap3A_76], %slice3A_74 {strides = array<i32>} : memref<128x128xi32, #tpu.memory_space<vmem>>, vector<8x128xi32>,
    %slice3A_78 = vector.extract_strided_slice %or3A {offsets = [0, 1664], sizes = [8, 128], strides = [1, 1]} : vector<8x2048xi32> to vector<8x128xi32>
    %swap3A_79 = arith.constant 104 : index
    %swap3A_80 = arith.constant 0 : index
    %swap3A_81 = vector.load %arg5[%swap3A_79, %swap3A_80] : memref<128x128xi32, #tpu.memory_space<vmem>>, vector<8x128xi32>
    tpu.vector_store %arg5[%swap3A_79, %swap3A_80], %slice3A_78 {strides = array<i32>} : memref<128x128xi32, #tpu.memory_space<vmem>>, vector<8x128xi32>,
    %slice3A_82 = vector.extract_strided_slice %or3A {offsets = [0, 1792], sizes = [8, 128], strides = [1, 1]} : vector<8x2048xi32> to vector<8x128xi32>
    %swap3A_83 = arith.constant 112 : index
    %swap3A_84 = arith.constant 0 : index
    %swap3A_85 = vector.load %arg5[%swap3A_83, %swap3A_84] : memref<128x128xi32, #tpu.memory_space<vmem>>, vector<8x128xi32>
    tpu.vector_store %arg5[%swap3A_83, %swap3A_84], %slice3A_82 {strides = array<i32>} : memref<128x128xi32, #tpu.memory_space<vmem>>, vector<8x128xi32>,
    %slice3A_86 = vector.extract_strided_slice %or3A {offsets = [0, 1920], sizes = [8, 128], strides = [1, 1]} : vector<8x2048xi32> to vector<8x128xi32>
    %swap3A_87 = arith.constant 120 : index
    %swap3A_88 = arith.constant 0 : index
    %swap3A_89 = vector.load %arg5[%swap3A_87, %swap3A_88] : memref<128x128xi32, #tpu.memory_space<vmem>>, vector<8x128xi32>
    tpu.vector_store %arg5[%swap3A_87, %swap3A_88], %slice3A_86 {strides = array<i32>} : memref<128x128xi32, #tpu.memory_space<vmem>>, vector<8x128xi32>,
    %get3A_90 = arith.constant 0 : index
    %get3A_91 = arith.constant 0 : index
    %get3A_92 = vector.load %arg4[%get3A_90, %get3A_91] : memref<3x65536xi32, #tpu.memory_space<vmem>>, vector<1x65536xi32>
    %get3A_93 = vector.shape_cast %get3A_92 : vector<1x65536xi32> to vector<65536xi32>
    %get3A_94 = arith.constant 1 : index
    %get3A_95 = arith.constant 0 : index
    %get3A_96 = vector.load %arg4[%get3A_94, %get3A_95] : memref<3x65536xi32, #tpu.memory_space<vmem>>, vector<1x65536xi32>
    %get3A_97 = vector.shape_cast %get3A_96 : vector<1x65536xi32> to vector<65536xi32>
    %get3A_98 = arith.constant 2 : index
    %get3A_99 = arith.constant 0 : index
    %get3A_100 = vector.load %arg4[%get3A_98, %get3A_99] : memref<3x65536xi32, #tpu.memory_space<vmem>>, vector<1x65536xi32>
    %get3A_101 = vector.shape_cast %get3A_100 : vector<1x65536xi32> to vector<65536xi32>
    %min3A = arith.constant 7 : i32
    %min3A_102 = vector.broadcast %min3A : i32 to vector<65536xi32>
    %min3A_103 = arith.minsi %get3A_97, %min3A_102 : vector<65536xi32>
    %lt3A = arith.constant 8 : i32
    %lt3A_104 = vector.broadcast %lt3A : i32 to vector<65536xi32>
    %lt3A_105 = arith.cmpi slt, %get3A_97, %lt3A_104 : vector<65536xi32>
    %and3A_106 = arith.constant -128 : i32
    %and3A_107 = vector.broadcast %and3A_106 : i32 to vector<65536xi32>
    %and3A_108 = arith.andi %get3A_93, %and3A_107 : vector<65536xi32>
    %shift_left3A_109 = arith.constant 3 : i32
    %shift_left3A_110 = vector.broadcast %shift_left3A_109 : i32 to vector<65536xi32>
    %shift_left3A_111 = arith.shli %and3A_108, %shift_left3A_110 : vector<65536xi32>
    %shift_left3A_112 = arith.constant 7 : i32
    %shift_left3A_113 = vector.broadcast %shift_left3A_112 : i32 to vector<65536xi32>
    %shift_left3A_114 = arith.shli %min3A_103, %shift_left3A_113 : vector<65536xi32>
    %or3A_115 = arith.ori %shift_left3A_111, %shift_left3A_114 : vector<65536xi32>
    %and3A_116 = arith.constant 127 : i32
    %and3A_117 = vector.broadcast %and3A_116 : i32 to vector<65536xi32>
    %and3A_118 = arith.andi %get3A_93, %and3A_117 : vector<65536xi32>
    %or3A_119 = arith.ori %or3A_115, %and3A_118 : vector<65536xi32>
    %jit3A = arith.constant 79888 : i32
    %broadcast_in_dim3A = vector.broadcast %jit3A : i32 to vector<65536xi32>
    %select_n3A = arith.select %lt3A_105, %or3A_119, %broadcast_in_dim3A : vector<65536xi1>, vector<65536xi32>
    %swap3A_120 = arith.constant 0 : index
    %swap3A_121 = vector.load %arg6[%swap3A_120] : memref<65536xi32, #tpu.memory_space<vmem>>, vector<65536xi32>
    tpu.vector_store %arg6[%swap3A_120], %select_n3A {strides = array<i32>} : memref<65536xi32, #tpu.memory_space<vmem>>, vector<65536xi32>,
    %and3A_122 = arith.constant -128 : i32
    %and3A_123 = vector.broadcast %and3A_122 : i32 to vector<65536xi32>
    %and3A_124 = arith.andi %get3A_101, %and3A_123 : vector<65536xi32>
    %shift_left3A_125 = arith.constant 3 : i32
    %shift_left3A_126 = vector.broadcast %shift_left3A_125 : i32 to vector<65536xi32>
    %shift_left3A_127 = arith.shli %and3A_124, %shift_left3A_126 : vector<65536xi32>
    %shift_left3A_128 = arith.constant 7 : i32
    %shift_left3A_129 = vector.broadcast %shift_left3A_128 : i32 to vector<65536xi32>
    %shift_left3A_130 = arith.shli %min3A_103, %shift_left3A_129 : vector<65536xi32>
    %or3A_131 = arith.ori %shift_left3A_127, %shift_left3A_130 : vector<65536xi32>
    %and3A_132 = arith.constant 127 : i32
    %and3A_133 = vector.broadcast %and3A_132 : i32 to vector<65536xi32>
    %and3A_134 = arith.andi %get3A_101, %and3A_133 : vector<65536xi32>
    %or3A_135 = arith.ori %or3A_131, %and3A_134 : vector<65536xi32>
    %jit3A_136 = arith.constant 79888 : i32
    %broadcast_in_dim3A_137 = vector.broadcast %jit3A_136 : i32 to vector<65536xi32>
    %select_n3A_138 = arith.select %lt3A_105, %or3A_135, %broadcast_in_dim3A_137 : vector<65536xi1>, vector<65536xi32>
    %swap3A_139 = arith.constant 0 : index
    %swap3A_140 = vector.load %arg7[%swap3A_139] : memref<65536xi32, #tpu.memory_space<vmem>>, vector<65536xi32>
    tpu.vector_store %arg7[%swap3A_139], %select_n3A_138 {strides = array<i32>} : memref<65536xi32, #tpu.memory_space<vmem>>, vector<65536xi32>,
    return
  }
  func.func @transform_0(%arg0: i32) -> (i32, i32) {
    %c0_i32 = arith.constant 0 : i32
    %c0_i32_0 = arith.constant 0 : i32
    %c0_i32_1 = arith.constant 0 : i32
    return %c0_i32, %c0_i32_0 : i32, i32
  }
  func.func @transform_1(%arg0: i32) -> (i32, i32) {
    %c0_i32 = arith.constant 0 : i32
    %c0_i32_0 = arith.constant 0 : i32
    %c0_i32_1 = arith.constant 0 : i32
    return %c0_i32, %c0_i32_0 : i32, i32
  }
  func.func @transform_2(%arg0: i32) -> (i32, i32) {
    %c0_i32 = arith.constant 0 : i32
    %c0_i32_0 = arith.constant 0 : i32
    return %arg0, %c0_i32 : i32, i32
  }
  func.func @transform_3(%arg0: i32) -> (i32, i32) {
    %c0_i32 = arith.constant 0 : i32
    %c0_i32_0 = arith.constant 0 : i32
    return %c0_i32, %arg0 : i32, i32
  }
  func.func @transform_4(%arg0: i32) -> (i32, i32) {
    %c0_i32 = arith.constant 0 : i32
    %c0_i32_0 = arith.constant 0 : i32
    return %arg0, %c0_i32 : i32, i32
  }
  func.func @transform_5(%arg0: i32) -> i32 {
    %c0_i32 = arith.constant 0 : i32
    return %arg0 : i32
  }
  func.func @transform_6(%arg0: i32) -> i32 {
    %c0_i32 = arith.constant 0 : i32
    return %arg0 : i32
  }
}

</mosaic_0001>

<sc_bundles>
// kernel: kernel.4.cloned.1.call-start
scs
__scs_entry_jumppad:
0x0: {  	(pc) =	sbr.rel $0x88, $3  }
0x1: {  	(tag) =	ssettag $0x0;
	lr =	simm.s32 $0x1  }
0x2: {  	[smem:$0x3F9D] =	sst lr;
	_ =	strace $0xD0000000  }
0x3: {  	_ = 	snop  }
0x4: {  	_ = 	snop  }
0x5: {  	_ = 	snop  }
0x6: {  	_ = 	snop  }
0x7: {  	_ = 	snop  }
__scs_overlays_trampoline_lowered:
0x8: {  	[smem:$0x3FAC] =	sst s0  }
0x9: {  	[smem:$0x3FAD] =	sst s1  }
0xa: {  	[smem:$0x3FAE] =	sst s2  }
0xb: {  	[smem:$0x3FAF] =	sst s3  }
0xc: {  	[smem:$0x3FB0] =	sst s4  }
0xd: {  	[smem:$0x3FB1] =	sst s5  }
0xe: {  	[smem:$0x3FB2] =	sst s6  }
0xf: {  	[smem:$0x3FB3] =	sst s7  }
0x10: {  	[smem:$0x3FB4] =	sst s8  }
0x11: {  	[smem:$0x3FB5] =	sst s9;
	s0 =	simm.s32 @!p0 $0x0  }
0x12: {  	s1 =	sld [smem:$0x3F9B];
	s0 =	simm.s32 @p0 $0x1  }
0x13: {  	[smem:$0x3FB6] =	sst s0;
	s0 =	simm.s32 @!p1 $0x0  }
0x14: {  	s2 =	sld [smem:$0x3F9A];
	s0 =	simm.s32 @p1 $0x1  }
0x15: {  	[smem:$0x3FB7] =	sst s0;
	s0 =	simm.s32 @!p2 $0x0  }
0x16: {  	s3 =	sld [smem:$0x3FDB];
	s0 =	simm.s32 @p2 $0x1  }
0x17: {  	s4 =	simm.s32 $0x1BF5;
	[smem:$0x3FB9] =	sst s0  }
0x18: {  	s0 =	sld [smem:$0x3F9C];
	_ =	swait.ge [sflag:s4], $0x0  }
0x19: {  	s7 =	sld [smem:$0x3F9D]  }
0x1a: {  	s8 =	sadd.s32 $0xFFFFE003, lr  }
0x1b: {  	s9 =	sadd.s32 $0xFFFFFEF7, lr;
	s5 =	simm.s32 $0xFFFFFFFF;
	p2 =	slt.u32 s8, $0xFFFFF086  }
0x1c: {  	p1 =	slt.u32 s9, $0xF7A;
	s5 =	simm.s32 @!p2 $0x0  }
0x1d: {  	s5 =	simm.s32 @p1 $0x1;
	p0 =	seq.s32 s7, s2  }
0x1e: {  	s7 =	smul.u32 @!p0 $0xF7A, s2;
	p2 =	seq.s32 @!p0 s5, $0x0  }
0x1f: {  	s9 =	smul.u32 $0xF7A, s1;
	s8 =	simm.s32 @!p0 $0x1BF5;
	p2 =	por !p2, p0  }
0x20: {  	[sflag:s8] =	ssyncset.s32 @!p0 $0xFFFFF086;
	s6 =	sadd.s32 @!p0 s3, s7;
	s7 =	simm.s32 @!p0 $0x108  }
0x21: {  	s3 =	sadd.s32 s3, s9;
	s6 =	sadd.s32 @!p0 $0x88, s6;
	s7 =	simm.s32 @p2 $0x1082  }
0x22: {  	[simem:s7], [sflag:s8] =	dma.local @!p0 [hbm:s6], $0xF7A  }
0x23: {  	s9 =	sor.u32 $0xD0000000, s2;
	s6 =	simm.s32 $0x108;
	_ =	swait.ge @!p0 [sflag:s8], $0x0  }
0x24: {  	s3 =	sadd.s32 $0x88, s3;
	s6 =	simm.s32 @!p1 $0x1082;
	[sflag:s4] =	ssyncset.s32 $0xFFFFF086  }
0x25: {  	[simem:s6], [sflag:s4] =	dma.local [hbm:s3], $0xF7A  }
0x26: {  	[smem:$0x3F9D] =	sst s1;
	(tag) =	ssettag s2;
	_ =	strace s9  }
0x27: {  	s1 =	sld [smem:$0x3FAD]  }
0x28: {  	s2 =	sld [smem:$0x3FAE]  }
0x29: {  	s4 =	sld [smem:$0x3FB0]  }
0x2a: {  	p0 =	seq.s32 s5, $0x0;
	s5 =	sld [smem:$0x3FB1]  }
0x2b: {  	s6 =	sld [smem:$0x3FB2]  }
0x2c: {  	s7 =	sld [smem:$0x3FB3]  }
0x2d: {  	s3 =	simm.s32 $0x108;
	s8 =	sld [smem:$0x3FB4]  }
0x2e: {  	s3 =	simm.s32 @!p0 $0x1082;
	s9 =	sld [smem:$0x3FB5]  }
0x2f: {  	lr =	sadd.s32 s0, s3;
	s0 =	sld [smem:$0x3FAC]  }
0x30: {  	s3 =	sld [smem:$0x3FAF]  }
0x31: {  	[smem:$0x3FB8] =	sst s10  }
0x32: {  	s10 =	sld [smem:$0x3FB6];
	_ =	sdelay $0x3  }
0x33: {  	p0 =	seq.s32 s10, $0x1;
	s10 =	sld [smem:$0x3FB8];
	_ =	sdelay $0x3  }
0x34: {  	[smem:$0x3FB8] =	sst s10  }
0x35: {  	s10 =	sld [smem:$0x3FB7];
	_ =	sdelay $0x3  }
0x36: {  	p1 =	seq.s32 s10, $0x1;
	s10 =	sld [smem:$0x3FB8];
	_ =	sdelay $0x3  }
0x37: {  	[smem:$0x3FB8] =	sst s10  }
0x38: {  	s10 =	sld [smem:$0x3FB9]  }
0x39: {  	_ = 	snop;
	(pc) =	sbr.ind lr, $3  }
0x3a: {  	_ = 	snop  }
0x3b: {  	_ = 	snop  }
0x3c: {  	p2 =	seq.s32 s10, $0x1;
	s10 =	sld [smem:$0x3FB8]  }
0x3d: {  	_ =	shalt  }
0x3e: {  	_ =	shalt  }
0x3f: {  	_ =	shalt  }
0x40: {  	_ =	shalt  }
0x41: {  	_ =	shalt  }
0x42: {  	_ =	shalt  }
0x43: {  	_ =	shalt  }
0x44: {  	_ =	shalt  }
0x45: {  	_ =	shalt  }
0x46: {  	_ =	shalt  }
0x47: {  	_ =	shalt  }
0x48: {  	_ =	shalt  }
0x49: {  	_ =	shalt  }
0x4a: {  	_ =	shalt  }
0x4b: {  	_ =	shalt  }
0x4c: {  	_ =	shalt  }
0x4d: {  	_ =	shalt  }
0x4e: {  	_ =	shalt  }
0x4f: {  	_ =	shalt  }
0x50: {  	_ =	shalt  }
0x51: {  	_ =	shalt  }
0x52: {  	_ =	shalt  }
0x53: {  	_ =	shalt  }
0x54: {  	_ =	shalt  }
0x55: {  	_ =	shalt  }
0x56: {  	_ =	shalt  }
0x57: {  	_ =	shalt  }
0x58: {  	_ =	shalt  }
0x59: {  	_ =	shalt  }
0x5a: {  	_ =	shalt  }
0x5b: {  	_ =	shalt  }
0x5c: {  	_ =	shalt  }
0x5d: {  	_ =	shalt  }
0x5e: {  	_ =	shalt  }
0x5f: {  	_ =	shalt  }
0x60: {  	_ =	shalt  }
0x61: {  	_ =	shalt  }
0x62: {  	_ =	shalt  }
0x63: {  	_ =	shalt  }
0x64: {  	_ =	shalt  }
0x65: {  	_ =	shalt  }
0x66: {  	_ =	shalt  }
0x67: {  	_ =	shalt  }
0x68: {  	_ =	shalt  }
0x69: {  	_ =	shalt  }
0x6a: {  	_ =	shalt  }
0x6b: {  	_ =	shalt  }
0x6c: {  	_ =	shalt  }
0x6d: {  	_ =	shalt  }
0x6e: {  	_ =	shalt  }
0x6f: {  	_ =	shalt  }
0x70: {  	_ =	shalt  }
0x71: {  	_ =	shalt  }
0x72: {  	_ =	shalt  }
0x73: {  	_ =	shalt  }
0x74: {  	_ =	shalt  }
0x75: {  	_ =	shalt  }
0x76: {  	_ =	shalt  }
0x77: {  	_ =	shalt  }
0x78: {  	_ =	shalt  }
0x79: {  	_ =	shalt  }
0x7a: {  	_ =	shalt  }
0x7b: {  	_ =	shalt  }
0x7c: {  	_ =	shalt  }
0x7d: {  	_ =	shalt  }
0x7e: {  	_ =	shalt  }
0x7f: {  	_ =	shalt  }
0x80: {  	_ =	shalt  }
0x81: {  	_ =	shalt  }
0x82: {  	_ =	shalt  }
0x83: {  	_ =	shalt  }
0x84: {  	_ =	shalt  }
0x85: {  	_ =	shalt  }
0x86: {  	_ =	shalt  }
0x87: {  	_ =	shalt  }
.Lfunc_end0:
.L_simem_size_0:
called_computation_lowered:
.L_overlay_start_0:
0x88: {  	s2 =	sld [smem:$0x3FD9]  }
0x89: {  	s3 =	sld [smem:$0x3FFE];
	_ =	sdelay $0x1  }
0x8a: {  	s1 =	srdreg.scid  }
0x8b: {  	s0 =	sand.u32 $0x1, s1  }
0x8c: {  	s17 =	sshll.u32 s0, $0xA;
	s2 =	sadd.s32 s3, s2  }
0x8d: {  	s2 =	sadd.s32 s2, s17  }
0x8e: {  	[smem:$0x3FC4] =	sst s2  }
0x8f: {  	_ = 	snop  }
0x90: {  	s2 =	sld [smem:$0x3FD0];
	(tm) =	ssettm $0x1  }
0x91: {  	s18 =	sld [smem:$0x3FFB];
	_ =	sdelay $0x3  }
0x92: {  	_ =	strace s18  }
0x93: {  	s3 =	sld [smem:$0x3FFC];
	_ =	sdelay $0x3  }
0x94: {  	_ =	strace s3  }
0x95: {  	s3 =	sld [smem:$0x3FFD];
	_ =	sdelay $0x3  }
0x96: {  	_ =	strace s3  }
0x97: {  	_ =	strace $0x8FFFFFFF  }
0x98: {  	s19 =	sld [smem:$0x3FDB];
	_ =	sdelay $0x1  }
0x99: {  	s4 =	simm.s32 $_scs_section_size  }
0x9a: {  	s5 =	simm.s32 $_size__tile_overlayer_lowered;
	s6 =	simm.s32 $_tile_overlayer_lowered  }
0x9b: {  	s22 =	simm.s32 $0x1BFF;
	s21 =	sshll.u32 s6, $0x1;
	s3 =	sadd.s32 s4, s19  }
0x9c: {  	s7 =	simm.s32 $0x0;
	s20 =	sshll.u32 s5, $0x1;
	s5 =	sadd.s32 s21, s3  }
0x9d: {  	[timem:s7], [sflag:s22] =	dma.local [hbm:s5], s20  }
0x9e: {  	_ =	swait.ge [sflag:s22], s20  }
0x9f: {  	s4 =	ssub.s32 $0x0, s20;
	[sflag:s22] =	ssyncset.done $0x0  }
0xa0: {  	[sflag:s22] =	ssyncadd.s32 s4;
	_ =	sdelay $0x1  }
0xa1: {  	s23 =	simm.s32 $0x1B8B  }
0xa2: {  	_ =	swait.ge [sflag:s23], $0x1  }
0xa3: {  	[sflag:s23] =	ssyncset.done $0x0  }
0xa4: {  	s25 =	simm.s32 $0x1B8E;
	s24 =	sld [smem:$0x3FFE];
	[sflag:s23] =	ssyncadd.s32 $0xFFFFFFFF  }
0xa5: {  	s26 =	simm.s32 $execute0_lowered;
	[smem:$0x3FD2] =	sst s25  }
0xa6: {  	s5 =	sshll.u32 s26, $0x1;
	_ =	strace $0x80000046;
	[dreg:$0x1] =	wrdreg $0xFFFFFFFF  }
0xa7: {  	s28 =	simm.s32 $_size_execute0_lowered;
	s3 =	sadd.s32 s3, s5;
	[dreg:$0x0] =	wrdreg $0x0  }
0xa8: {  	s5 =	sshll.u32 s28, $0x1;
	[dreg:$0x2] =	wrdreg s3  }
0xa9: {  	[dreg:$0x3] =	wrdreg s5  }
0xaa: {  	[dreg:$0x4] =	wrdreg $0xC0  }
0xab: {  	_ =	task [dreg:s7], $0x5FFFF  }
0xac: {  	[dreg:$0x1] =	wrdreg $0xFFFFFFFF  }
0xad: {  	[dreg:$0x0] =	wrdreg $0x60  }
0xae: {  	[dreg:$0x2] =	wrdreg s24  }
0xaf: {  	[dreg:$0x3] =	wrdreg s2  }
0xb0: {  	[dreg:$0x4] =	wrdreg $0x0  }
0xb1: {  	[dreg:$0x5] =	wrdreg $0x9  }
0xb2: {  	_ =	task.clear_ibuf [dreg:s7], $0x6FFFF;
	_ =	strace $0x90000046  }
0xb3: {  	s29 =	simm.s32 $0x9;
	_ =	strace $0x80000048  }
0xb4: {  	_ =	swait.ge [sflag:s29], $0x1  }
0xb5: {  	[sflag:s29] =	ssyncadd.s32 $0xFFFFFFFF  }
0xb6: {  	_ =	strace $0x90000048  }
0xb7: {  	_ =	sfence  }
0xb8: {  	s30 =	sld [smem:$0x0];
	_ =	sdelay $0x2  }
0xb9: {  	s31 =	sshll.u32 s1, $0xD;
	s1 =	sshrl.u32 s1, $0x2  }
0xba: {  	s3 =	sand.u32 $0x4000, s31;
	s1 =	sadd.s32 s1, s30  }
0xbb: {  	s0 =	sor.u32 s3, s0;
	s1 =	sshll.u32 s1, $0x11  }
0xbc: {  	s0 =	sor.u32 s1, s0  }
0xbd: {  	s0 =	sadd.s32 $0x8F2B, s0  }
0xbe: {  	[sflag:s0] =	ssyncadd.remote.s32 $0x1  }
0xbf: {  	_ =	sfence.sel $0xFFFF  }
0xc0: {  	[dreg:$0x0] =	wrdreg $0xFFFFFFFF;
	(pc) =	sbr.abs _section_cstart, $3  }
0xc1: {  	[dreg:$0x1] =	wrdreg $0xFFFFFFFF  }
0xc2: {  	_ =	task.clear_ibuf [dreg:s7], $0x2FFFF;
	_ =	strace $0x9FFFFFFF  }
0xc3: {  	(tm) =	ssettm $0x7FFFFFFF  }
tec
execute0_lowered:
.L_overlay_start_1:
0x0: {  	(tag) =	ssettag $0x1  }
0x1: {  	s3 =	rddreg [dreg:$0x0];
	s0 =	srdreg.scid  }
0x2: {  	s7 =	stileid.u32;
	s6 =	rddreg [dreg:$0x1]  }
0x3: {  	s1 =	rddreg [dreg:$0x2];
	s2 =	simm.s32 $0x0;
	s10 =	simm.s32 $0x17B80  }
0x4: {  	s11 =	simm.s32 $0x1400;
	s12 =	simm.s32 $0x2;
	s13 =	simm.s32 $0x1  }
0x5: {  	s14 =	simm.s32 $0x1A300;
	s4 =	sand.u32 $0x1, s0;
	s31 =	sshll.u32 s7, $0x1  }
0x6: {  	s15 =	simm.s32 $0x0;
	s0 =	rddreg [dreg:$0x3];
	s5 =	sor.u32 s4, s31  }
0x7: {  	[smem:$0x7FF] =	sst s2;
	s4 =	ssub.s32 $0x2, s4;
	s8 =	smul.u32 $0x4E2, s5  }
0x8: {  	p0 =	sne.s32 s7, $0x0;
	_ =	strace $0x80000047;
	s9 =	sshrl.u32 s4, $0x1  }
0x9: {  	s9 =	ssub.s32 s4, s9;
	s5 =	sadd.s32 s8, s3;
	s3 =	sadd.s32 $0x14E00, s3  }
0xa: {  	s6 =	sadd.s32 s6, s8;
	s7 =	smax.u32 s9, $0x1;
	s8 =	sshrl.u32 @!p0 s1, $0x3  }
0xb: {  	v0 =	vimm.s32 $0x0;
	s9 =	simm.s32 $0x15400;
	s4 =	sadd.s32 $0x1200, s5;
	s5 =	sadd.s32 $0xB000, s5  }
.LBB2_1:
0xc: {  	s16 =	simm.s32 @!p0 $0x1C02  }
0xd: {  	[spmem:s8], [sflag:s16] =	dma.local @!p0 [hbm:s3], $0x2800  }
0xe: {  	s16 =	simm.s32 @!p0 $0x2  }
0xf: {  	_ =	swait.ge @!p0 [sflag:s16], $0x2800  }
0x10: {  	[sflag:s16] =	ssyncset.done @!p0 $0x0  }
0x11: {  	[sflag:s16] =	ssyncadd.s32 @!p0 $0xFFFFD800  }
0x12: {  	[tilespmem:s9], [sflag:$0x1] =	stream.linear.gather [hbm4b:s4+s2], $0x2710, $0x38;
	[tilespmem:$0x1CA80] =	vst v63  }
0x13: {  	_ = 	snop  }
0x14: {  	[tilespmem:s10], [sflag:$0x1] =	stream.linear.gather [hbm4b:s5+s2], $0x2710, $0x38;
	[tilespmem:$0x1CA80] =	vst v63  }
0x15: {  	[bflag:$0x0] =	sbarrier.arrive $0xFFFF  }
0x16: {  	[tilespmem:s11], [sflag:$0x2] =	stream.linear.gather [spmem:s1], $0x14000, $0x38;
	[tilespmem:$0x1CA80] =	vst v63  }
0x17: {  	_ =	swait.ge [sflag:s12], $0x14000  }
0x18: {  	[sflag:s12] =	ssyncset.done $0x0  }
0x19: {  	[sflag:s12] =	ssyncadd.s32 $0xFFFEC000  }
0x1a: {  	_ =	swait.ge [sflag:s13], $0x2710  }
0x1b: {  	[sflag:s13] =	ssyncset.done $0x0  }
0x1c: {  	[sflag:s13] =	ssyncadd.s32 $0xFFFFD8F0  }
0x1d: {  	_ =	swait.ge [sflag:s13], $0x2710  }
0x1e: {  	[sflag:s13] =	ssyncset.done $0x0  }
0x1f: {  	[sflag:s13] =	ssyncadd.s32 $0xFFFFD8F0  }
0x20: {  	s17 =	simm.s32 $0x15480;
	[tilespmem:$0x14C10] =	vst v0  }
0x21: {  	s16 =	simm.s32 $0x17C00;
	v1 =	vld [tilespmem:s17+$0x70]  }
0x22: {  	v2 =	vld [tilespmem:s16+$0x70]  }
0x23: {  	v3 =	vld [tilespmem:s16+$0xFFFFFF80]  }
0x24: {  	v4 =	vld [tilespmem:s17+$0xFFFFFF90]  }
0x25: {  	v5 =	vld [tilespmem:s16+$0xFFFFFF90]  }
0x26: {  	v6 =	vld [tilespmem:s17+$0xFFFFFFA0]  }
0x27: {  	v7 =	vld [tilespmem:s16+$0xFFFFFFA0]  }
0x28: {  	v8 =	vld [tilespmem:s17+$0xFFFFFFB0]  }
0x29: {  	v9 =	vld [tilespmem:s16+$0xFFFFFFB0]  }
0x2a: {  	v10 =	vld [tilespmem:s17+$0xFFFFFFC0]  }
0x2b: {  	v11 =	vld [tilespmem:s16+$0xFFFFFFC0]  }
0x2c: {  	v12 =	vld [tilespmem:s17+$0xFFFFFFD0]  }
0x2d: {  	v13 =	vld [tilespmem:s16+$0xFFFFFFD0]  }
0x2e: {  	v14 =	vld [tilespmem:s17+$0xFFFFFFE0]  }
0x2f: {  	v15 =	vld [tilespmem:s16+$0xFFFFFFE0]  }
0x30: {  	v16 =	vld [tilespmem:s17+$0xFFFFFFF0]  }
0x31: {  	v17 =	vld [tilespmem:s16+$0xFFFFFFF0]  }
0x32: {  	v18 =	vld [tilespmem:s17+$0x0]  }
0x33: {  	v19 =	vld [tilespmem:s16+$0x0]  }
0x34: {  	v20 =	vld [tilespmem:s17+$0x10]  }
0x35: {  	v21 =	vld [tilespmem:s16+$0x10]  }
0x36: {  	v22 =	vld [tilespmem:s17+$0x20]  }
0x37: {  	v23 =	vld [tilespmem:s16+$0x20]  }
0x38: {  	v24 =	vld [tilespmem:s17+$0x30]  }
0x39: {  	v25 =	vld [tilespmem:s16+$0x30]  }
0x3a: {  	v26 =	vld [tilespmem:s17+$0x40]  }
0x3b: {  	v27 =	vld [tilespmem:s16+$0x40]  }
0x3c: {  	v28 =	vld [tilespmem:s17+$0x50]  }
0x3d: {  	v29 =	vld [tilespmem:s16+$0x50]  }
0x3e: {  	v30 =	vld [tilespmem:s17+$0x60]  }
0x3f: {  	v31 =	vld [tilespmem:s16+$0x60]  }
0x40: {  	v32 =	vld [tilespmem:s17+$0xFFFFFF80]  }
0x41: {  	v1 =	vld.idx.msk [tilespmem:v1+s11+$0x0], $0xffff  }
0x42: {  	v2 =	vld.idx.msk [tilespmem:v2+s11+$0x0], $0xffff  }
0x43: {  	v3 =	vld.idx.msk [tilespmem:v3+s11+$0x0], $0xffff  }
0x44: {  	v4 =	vld.idx.msk [tilespmem:v4+s11+$0x0], $0xffff  }
0x45: {  	v5 =	vld.idx.msk [tilespmem:v5+s11+$0x0], $0xffff  }
0x46: {  	v6 =	vld.idx.msk [tilespmem:v6+s11+$0x0], $0xffff  }
0x47: {  	v7 =	vld.idx.msk [tilespmem:v7+s11+$0x0], $0xffff  }
0x48: {  	v8 =	vld.idx.msk [tilespmem:v8+s11+$0x0], $0xffff  }
0x49: {  	v9 =	vld.idx.msk [tilespmem:v9+s11+$0x0], $0xffff  }
0x4a: {  	v32 =	vld.idx.msk [tilespmem:v32+s11+$0x0], $0xffff  }
0x4b: {  	v10 =	vld.idx.msk [tilespmem:v10+s11+$0x0], $0xffff  }
0x4c: {  	v11 =	vld.idx.msk [tilespmem:v11+s11+$0x0], $0xffff  }
0x4d: {  	v12 =	vld.idx.msk [tilespmem:v12+s11+$0x0], $0xffff  }
0x4e: {  	v13 =	vld.idx.msk [tilespmem:v13+s11+$0x0], $0xffff  }
0x4f: {  	v14 =	vld.idx.msk [tilespmem:v14+s11+$0x0], $0xffff  }
0x50: {  	v15 =	vld.idx.msk [tilespmem:v15+s11+$0x0], $0xffff  }
0x51: {  	v16 =	vld.idx.msk [tilespmem:v16+s11+$0x0], $0xffff  }
0x52: {  	v17 =	vld.idx.msk [tilespmem:v17+s11+$0x0], $0xffff;
	v1 =	vshll.u32 v1, $0x10;
	v2 =	vand.u32 $0xFFFF0000, v2  }
0x53: {  	v18 =	vld.idx.msk [tilespmem:v18+s11+$0x0], $0xffff;
	v1 =	vadd.f32 v2, v1;
	v2 =	vshll.u32 v4, $0x10;
	v4 =	vand.u32 $0xFFFF0000, v5  }
0x54: {  	s17 =	simm.s32 $0x1A380;
	v5 =	vld.idx.msk [tilespmem:v19+s11+$0x0], $0xffff;
	v2 =	vadd.f32 v4, v2;
	v4 =	vshll.u32 v6, $0x10;
	v6 =	vand.u32 $0xFFFF0000, v7  }
0x55: {  	v7 =	vld.idx.msk [tilespmem:v20+s11+$0x0], $0xffff;
	[tilespmem:s17+$0x70] =	vst v1;
	v1 =	vadd.f32 v6, v4;
	v4 =	vshll.u32 v8, $0x10;
	v6 =	vand.u32 $0xFFFF0000, v9  }
0x56: {  	v3 =	vand.u32 $0xFFFF0000, v3;
	v8 =	vld.idx.msk [tilespmem:v21+s11+$0x0], $0xffff;
	[tilespmem:s17+$0xFFFFFF90] =	vst v2;
	v2 =	vshll.u32 v32, $0x10;
	v4 =	vadd.f32 v6, v4  }
0x57: {  	v9 =	vld.idx.msk [tilespmem:v23+s11+$0x0], $0xffff;
	[tilespmem:s17+$0xFFFFFFA0] =	vst v1;
	v1 =	vadd.f32 v3, v2;
	v2 =	vshll.u32 v10, $0x10;
	v3 =	vand.u32 $0xFFFF0000, v11  }
0x58: {  	v6 =	vld.idx.msk [tilespmem:v22+s11+$0x0], $0xffff;
	[tilespmem:s17+$0xFFFFFFB0] =	vst v4;
	v2 =	vadd.f32 v3, v2;
	v3 =	vshll.u32 v12, $0x10;
	v4 =	vand.u32 $0xFFFF0000, v13  }
0x59: {  	v10 =	vld.idx.msk [tilespmem:v24+s11+$0x0], $0xffff;
	[tilespmem:s17+$0xFFFFFF80] =	vst v1;
	v3 =	vadd.f32 v4, v3;
	v1 =	vshll.u32 v14, $0x10;
	v4 =	vand.u32 $0xFFFF0000, v15  }
0x5a: {  	v63 =	vand.u32 $0xFFFF0000, v17;
	v11 =	vld.idx.msk [tilespmem:v25+s11+$0x0], $0xffff;
	[tilespmem:s17+$0xFFFFFFC0] =	vst v2;
	v4 =	vadd.f32 v4, v1;
	v2 =	vshll.u32 v16, $0x10  }
0x5b: {  	v5 =	vand.u32 $0xFFFF0000, v5;
	v1 =	vld.idx.msk [tilespmem:v26+s11+$0x0], $0xffff;
	[tilespmem:s17+$0xFFFFFFD0] =	vst v3;
	v12 =	vadd.f32 v63, v2;
	v3 =	vshll.u32 v18, $0x10  }
0x5c: {  	v2 =	vld.idx.msk [tilespmem:v27+s11+$0x0], $0xffff;
	[tilespmem:s17+$0xFFFFFFE0] =	vst v4;
	v5 =	vadd.f32 v5, v3;
	v4 =	vshll.u32 v7, $0x10;
	v7 =	vand.u32 $0xFFFF0000, v8  }
0x5d: {  	v3 =	vld.idx.msk [tilespmem:v28+s11+$0x0], $0xffff;
	v7 =	vadd.f32 v7, v4  }
0x5e: {  	v6 =	vshll.u32 v6, $0x10;
	v8 =	vand.u32 $0xFFFF0000, v9;
	v4 =	vld.idx.msk [tilespmem:v29+s11+$0x0], $0xffff;
	[tilespmem:s17+$0x0] =	vst v5  }
0x5f: {  	v5 =	vld.idx.msk [tilespmem:v30+s11+$0x0], $0xffff;
	[tilespmem:s17+$0x10] =	vst v7;
	v7 =	vadd.f32 v8, v6  }
0x60: {  	s18 =	simm.s32 $0x0;
	s19 =	simm.s32 $0x15580;
	v9 =	vand.u32 $0xFFFF0000, v11;
	[tilespmem:s17+$0xFFFFFFF0] =	vst v12;
	v8 =	vshll.u32 v10, $0x10;
	v6 =	vld.idx.msk [tilespmem:v31+s11+$0x0], $0xffff  }
.LBB2_2:
0x61: {  	v10 =	vld [tilespmem:s19+$0x70];
	[tilespmem:s17+$0x20] =	vst v7;
	v7 =	vadd.f32 v9, v8;
	v1 =	vshll.u32 v1, $0x10;
	s16 =	sadd.s32 $0x100, s16  }
0x62: {  	s18 =	sadd.s32 $0x100, s18;
	v2 =	vand.u32 $0xFFFF0000, v2;
	v8 =	vld [tilespmem:s16+$0x70]  }
0x63: {  	p1 =	slt.u32 s18, $0x2600;
	v1 =	vadd.f32 v2, v1;
	v2 =	vshll.u32 v3, $0x10;
	v9 =	vld [tilespmem:s16+$0xFFFFFF80];
	[tilespmem:s17+$0x30] =	vst v7  }
0x64: {  	v4 =	vand.u32 $0xFFFF0000, v4;
	v3 =	vld [tilespmem:s19+$0xFFFFFF90]  }
0x65: {  	v7 =	vld [tilespmem:s16+$0xFFFFFF90];
	[tilespmem:s17+$0x40] =	vst v1;
	v1 =	vadd.f32 v4, v2;
	v2 =	vshll.u32 v5, $0x10  }
0x66: {  	v5 =	vand.u32 $0xFFFF0000, v6;
	v4 =	vld [tilespmem:s19+$0xFFFFFFA0]  }
0x67: {  	v6 =	vld [tilespmem:s16+$0xFFFFFFA0];
	[tilespmem:s17+$0x50] =	vst v1;
	v1 =	vadd.f32 v5, v2  }
0x68: {  	v2 =	vld [tilespmem:s19+$0xFFFFFFB0]  }
0x69: {  	v5 =	vld.idx.msk [tilespmem:v10+s11+$0x0], $0xffff;
	[tilespmem:s17+$0x60] =	vst v1  }
0x6a: {  	v1 =	vld.idx.msk [tilespmem:v8+s11+$0x0], $0xffff  }
0x6b: {  	v8 =	vld [tilespmem:s16+$0xFFFFFFB0]  }
0x6c: {  	v10 =	vld [tilespmem:s19+$0xFFFFFFC0]  }
0x6d: {  	v11 =	vld [tilespmem:s16+$0xFFFFFFC0]  }
0x6e: {  	v12 =	vld [tilespmem:s19+$0xFFFFFFD0]  }
0x6f: {  	v13 =	vld [tilespmem:s16+$0xFFFFFFD0]  }
0x70: {  	v5 =	vshll.u32 v5, $0x10;
	v1 =	vand.u32 $0xFFFF0000, v1;
	v14 =	vld [tilespmem:s19+$0xFFFFFFE0]  }
0x71: {  	v1 =	vadd.f32 v1, v5;
	v15 =	vld [tilespmem:s16+$0xFFFFFFE0]  }
0x72: {  	s17 =	sadd.s32 $0x100, s17;
	v5 =	vld [tilespmem:s19+$0xFFFFFFF0]  }
0x73: {  	v16 =	vld [tilespmem:s16+$0xFFFFFFF0];
	[tilespmem:s17+$0x70] =	vst v1  }
0x74: {  	v1 =	vld [tilespmem:s19+$0x0]  }
0x75: {  	v17 =	vld [tilespmem:s16+$0x0]  }
0x76: {  	v18 =	vld [tilespmem:s19+$0x10]  }
0x77: {  	v19 =	vld [tilespmem:s16+$0x10]  }
0x78: {  	v20 =	vld [tilespmem:s19+$0x20]  }
0x79: {  	v21 =	vld [tilespmem:s16+$0x20]  }
0x7a: {  	v22 =	vld [tilespmem:s19+$0x30]  }
0x7b: {  	v23 =	vld [tilespmem:s16+$0x30]  }
0x7c: {  	v24 =	vld [tilespmem:s19+$0x40]  }
0x7d: {  	v25 =	vld [tilespmem:s16+$0x40]  }
0x7e: {  	v26 =	vld [tilespmem:s19+$0x50]  }
0x7f: {  	v27 =	vld [tilespmem:s16+$0x50]  }
0x80: {  	v28 =	vld [tilespmem:s19+$0x60]  }
0x81: {  	v29 =	vld [tilespmem:s16+$0x60]  }
0x82: {  	v30 =	vld [tilespmem:s19+$0xFFFFFF80]  }
0x83: {  	v9 =	vld.idx.msk [tilespmem:v9+s11+$0x0], $0xffff  }
0x84: {  	v3 =	vld.idx.msk [tilespmem:v3+s11+$0x0], $0xffff  }
0x85: {  	v7 =	vld.idx.msk [tilespmem:v7+s11+$0x0], $0xffff  }
0x86: {  	v4 =	vld.idx.msk [tilespmem:v4+s11+$0x0], $0xffff  }
0x87: {  	v6 =	vld.idx.msk [tilespmem:v6+s11+$0x0], $0xffff  }
0x88: {  	v2 =	vld.idx.msk [tilespmem:v2+s11+$0x0], $0xffff  }
0x89: {  	v9 =	vand.u32 $0xFFFF0000, v9;
	v8 =	vld.idx.msk [tilespmem:v8+s11+$0x0], $0xffff  }
0x8a: {  	v3 =	vshll.u32 v3, $0x10;
	v30 =	vld.idx.msk [tilespmem:v30+s11+$0x0], $0xffff  }
0x8b: {  	v7 =	vand.u32 $0xFFFF0000, v7;
	v10 =	vld.idx.msk [tilespmem:v10+s11+$0x0], $0xffff  }
0x8c: {  	v3 =	vadd.f32 v7, v3;
	v4 =	vshll.u32 v4, $0x10;
	v7 =	vld.idx.msk [tilespmem:v11+s11+$0x0], $0xffff  }
0x8d: {  	v6 =	vand.u32 $0xFFFF0000, v6;
	v11 =	vld.idx.msk [tilespmem:v12+s11+$0x0], $0xffff  }
0x8e: {  	v2 =	vshll.u32 v2, $0x10;
	[tilespmem:s17+$0xFFFFFF90] =	vst v3;
	v3 =	vadd.f32 v6, v4;
	v4 =	vld.idx.msk [tilespmem:v13+s11+$0x0], $0xffff  }
0x8f: {  	v6 =	vand.u32 $0xFFFF0000, v8;
	v8 =	vld.idx.msk [tilespmem:v14+s11+$0x0], $0xffff  }
0x90: {  	v12 =	vshll.u32 v30, $0x10;
	v2 =	vadd.f32 v6, v2;
	[tilespmem:s17+$0xFFFFFFA0] =	vst v3;
	v3 =	vld.idx.msk [tilespmem:v15+s11+$0x0], $0xffff  }
0x91: {  	v6 =	vadd.f32 v9, v12;
	v9 =	vshll.u32 v10, $0x10;
	v5 =	vld.idx.msk [tilespmem:v5+s11+$0x0], $0xffff  }
0x92: {  	[tilespmem:s17+$0xFFFFFFB0] =	vst v2;
	v2 =	vand.u32 $0xFFFF0000, v7;
	v7 =	vld.idx.msk [tilespmem:v16+s11+$0x0], $0xffff  }
0x93: {  	[tilespmem:s17+$0xFFFFFF80] =	vst v6;
	v2 =	vadd.f32 v2, v9;
	v6 =	vshll.u32 v11, $0x10;
	v1 =	vld.idx.msk [tilespmem:v1+s11+$0x0], $0xffff  }
0x94: {  	v4 =	vand.u32 $0xFFFF0000, v4;
	v9 =	vld.idx.msk [tilespmem:v17+s11+$0x0], $0xffff  }
0x95: {  	[tilespmem:s17+$0xFFFFFFC0] =	vst v2;
	v2 =	vadd.f32 v4, v6;
	v4 =	vshll.u32 v8, $0x10;
	v6 =	vld.idx.msk [tilespmem:v18+s11+$0x0], $0xffff  }
0x96: {  	v3 =	vand.u32 $0xFFFF0000, v3;
	v8 =	vld.idx.msk [tilespmem:v19+s11+$0x0], $0xffff  }
0x97: {  	[tilespmem:s17+$0xFFFFFFD0] =	vst v2;
	v2 =	vadd.f32 v3, v4;
	v3 =	vshll.u32 v5, $0x10;
	v4 =	vld.idx.msk [tilespmem:v20+s11+$0x0], $0xffff  }
0x98: {  	v5 =	vand.u32 $0xFFFF0000, v7;
	v7 =	vld.idx.msk [tilespmem:v21+s11+$0x0], $0xffff  }
0x99: {  	v1 =	vshll.u32 v1, $0x10;
	[tilespmem:s17+$0xFFFFFFE0] =	vst v2;
	v2 =	vadd.f32 v5, v3;
	v5 =	vld.idx.msk [tilespmem:v22+s11+$0x0], $0xffff  }
0x9a: {  	v3 =	vand.u32 $0xFFFF0000, v9;
	v9 =	vld.idx.msk [tilespmem:v23+s11+$0x0], $0xffff  }
0x9b: {  	v3 =	vadd.f32 v3, v1;
	v6 =	vshll.u32 v6, $0x10;
	[tilespmem:s17+$0xFFFFFFF0] =	vst v2;
	v1 =	vld.idx.msk [tilespmem:v24+s11+$0x0], $0xffff  }
.Ltmp0:
0x9c: {  	v8 =	vand.u32 $0xFFFF0000, v8;
	v2 =	vld.idx.msk [tilespmem:v25+s11+$0x0], $0xffff;
	(pc) =	sbr.rel @p1 .LBB2_2-.Ltmp0, $4  }
0x9d: {  	v6 =	vadd.f32 v8, v6;
	v8 =	vshll.u32 v4, $0x10;
	[tilespmem:s17+$0x0] =	vst v3;
	v3 =	vld.idx.msk [tilespmem:v26+s11+$0x0], $0xffff  }
0x9e: {  	v7 =	vand.u32 $0xFFFF0000, v7;
	v4 =	vld.idx.msk [tilespmem:v27+s11+$0x0], $0xffff  }
0x9f: {  	v7 =	vadd.f32 v7, v8;
	v8 =	vshll.u32 v5, $0x10;
	[tilespmem:s17+$0x10] =	vst v6;
	v5 =	vld.idx.msk [tilespmem:v28+s11+$0x0], $0xffff  }
0xa0: {  	s19 =	sadd.s32 $0x100, s19;
	v9 =	vand.u32 $0xFFFF0000, v9;
	v6 =	vld.idx.msk [tilespmem:v29+s11+$0x0], $0xffff  }
0xa1: {  	_ =	sdelay $0x1  }
0xa2: {  	v8 =	vadd.f32 v9, v8;
	v1 =	vshll.u32 v1, $0x10;
	v2 =	vand.u32 $0xFFFF0000, v2  }
0xa3: {  	[tilespmem:s17+$0x20] =	vst v7;
	v1 =	vadd.f32 v2, v1;
	v2 =	vshll.u32 v3, $0x10;
	v3 =	vand.u32 $0xFFFF0000, v4  }
0xa4: {  	[tilespmem:s17+$0x30] =	vst v8;
	v2 =	vadd.f32 v3, v2;
	v3 =	vshll.u32 v5, $0x10;
	v63 =	vand.u32 $0xFFFF0000, v6  }
0xa5: {  	[tilespmem:s17+$0x40] =	vst v1;
	v1 =	vadd.f32 v63, v3  }
0xa6: {  	[tilespmem:s17+$0x50] =	vst v2  }
0xa7: {  	[tilespmem:s17+$0x60] =	vst v1  }
0xa8: {  	v1 =	vld [tilespmem:$0x17B00]  }
0xa9: {  	v2 =	vld [tilespmem:$0x1A280];
	_ =	sdelay $0x6  }
0xaa: {  	v1 =	vld.idx.msk [tilespmem:v1+s11+$0x0], $0xffff  }
0xab: {  	v2 =	vld.idx.msk [tilespmem:v2+s11+$0x0], $0xffff;
	_ =	sdelay $0x4  }
0xac: {  	v1 =	vshll.u32 v1, $0x10;
	v2 =	vand.u32 $0xFFFF0000, v2  }
0xad: {  	s15 =	sadd.s32 $0x1, s15;
	v1 =	vadd.f32 v2, v1  }
0xae: {  	p1 =	sne.s32 s15, s7  }
.Ltmp1:
0xaf: {  	[tilespmem:$0x1CA00] =	vst v1;
	(pc) =	sbr.rel @p1 .LBB2_1-.Ltmp1, $4  }
0xb0: {  	[hbm4b:s6+s2] =	stream.linear.scatter [tilespmem:s14], [sflag:$0x2], $0x2710, $0x38;
	[tilespmem:$0x1CA80] =	vst v63  }
0xb1: {  	_ =	swait.ge [sflag:s12], $0x2710  }
0xb2: {  	[sflag:s12] =	ssyncset.done $0x0  }
0xb3: {  	[sflag:s12] =	ssyncadd.s32 $0xFFFFD8F0  }
0xb4: {  	_ =	sfence.sel $0x180000  }
0xb5: {  	[bflag:$0x0] =	sbarrier.arrive $0xFFFF  }
0xb6: {  	_ =	strace $0x90000047  }
0xb7: {  	s0 =	sadd.s32 @!p0 $0x100000, s0;
	[bflag:$0x2] =	sbarrier.arrive $0xFFFF  }
0xb8: {  	[sflag:s0] =	ssyncadd.tile.s32 @!p0 $0x1;
	_ =	shalt  }
.Lfunc_end2:
_tile_overlayer_lowered:
.L_overlay_start_2:
0xb9: {  	(tag) =	ssettag $0x2  }
0xba: {  	s0 =	rddreg [dreg:$0x0];
	s2 =	stileid.u32  }
0xbb: {  	s1 =	rddreg [dreg:$0x1];
	p0 =	sne.s32 s2, $0x0  }
0xbc: {  	s3 =	rddreg [dreg:$0x2];
	[bflag:$0x3] =	sbarrier.arrive $0xFFFF;
	s2 =	simm.s32 @!p0 $0x1C02  }
0xbd: {  	[timem:s3], [sflag:s2] =	dma.local @!p0 [hbm:s0], s1  }
0xbe: {  	s0 =	simm.s32 @!p0 $0x2  }
0xbf: {  	_ =	swait.ge @!p0 [sflag:s0], s1  }
0xc0: {  	s1 =	ssub.s32 @!p0 $0x0, s1;
	[sflag:s0] =	ssyncset.done @!p0 $0x0  }
0xc1: {  	[sflag:s0] =	ssyncadd.s32 @!p0 s1  }
0xc2: {  	[bflag:$0x3] =	sbarrier.arrive $0xFFFF  }
0xc3: {  	_ =	shalt  }

</sc_bundles>
